<compile_context>
chip_gen: v7x
topology: tpu7x:2x2x1
jax: 0.10.2.dev20260603
libtpu: 0.0.44.dev20260713+nightly
codegen_flags: <defaults>
</compile_context>

<pallas_src>
import functools

import jax
import jax.numpy as jnp
from jax import lax
from jax.experimental import pallas as pl
from jax.experimental.pallas import tpu as pltpu
from jax.experimental.pallas import tpu_sc as plsc

LANES = 16


@functools.lru_cache(maxsize=None)
def _make_kernel(B: int, n_loc: int, n_grp: int):
    info = plsc.get_sparse_core_info()
    n_cores = 1
    n_sub = info.num_subcores
    nw = n_cores * n_sub
    bpw = B // nw
    assert B % (8 * nw) == 0 and bpw % LANES == 0
    mesh = plsc.VectorSubcoreMesh(
        core_axis_name="c", subcore_axis_name="s",
        num_cores=n_cores, num_subcores=n_sub)

    @functools.partial(
        pl.kernel,
        mesh=mesh,
        out_type=jax.ShapeDtypeStruct((B,), jnp.float32),
        compiler_params=pltpu.CompilerParams(
            needs_layout_passes=False,
            disable_bounds_checks=True,
            disable_semaphore_checks=True,
            skip_device_barrier=True,
            use_tc_tiling_on_sc=False,
        ),
        scratch_types=[
            pltpu.VMEM((bpw,), jnp.int32),
            pltpu.VMEM((n_loc,), jnp.int32),
            pltpu.VMEM((n_grp,), jnp.float32),
            pltpu.VMEM((n_loc,), jnp.float32),
            pltpu.VMEM((bpw,), jnp.float32),
            pltpu.SemaphoreType.DMA,
            pltpu.SemaphoreType.DMA,
        ],
    )
    def k(loc_hbm, lg_hbm, par_hbm, out_hbm, loc_v, lg_v, par_v, fused_v, out_v,
          sem_loc, sem_tab):
        wid = lax.axis_index("s") * n_cores + lax.axis_index("c")
        base = wid * bpw
        c_loc = pltpu.async_copy(loc_hbm.at[pl.ds(base, bpw)], loc_v, sem_loc)
        c_lg = pltpu.async_copy(lg_hbm, lg_v, sem_tab)
        c_par = pltpu.async_copy(par_hbm, par_v, sem_tab)
        c_lg.wait()
        c_par.wait()

        @plsc.parallel_loop(0, n_loc, LANES, unroll=8)
        def _(j):
            gv = lg_v[pl.ds(j, LANES)]
            fused_v[pl.ds(j, LANES)] = plsc.load_gather(par_v, [gv])

        c_loc.wait()

        @plsc.parallel_loop(0, bpw, LANES, unroll=4)
        def _(i):
            lv = loc_v[pl.ds(i, LANES)]
            out_v[pl.ds(i, LANES)] = plsc.load_gather(fused_v, [lv])

        pltpu.sync_copy(out_v, out_hbm.at[pl.ds(base, bpw)])

    return k


def kernel(locations, loc_group, params):
    out = _make_kernel(locations.shape[0], loc_group.shape[0], params.shape[0])(
        locations, loc_group, params)
    return out[:, None]

# --- scband reference (transcript-rebuilt; emitter-appended) ---
"""Pipeline reference for scband-grouped-parameter-mapping-40724879900738 (READ-ONLY COPY).

The authoritative reference and input builder live on the scoring server;
editing this copy changes nothing except your own understanding.
"""

import jax, jax.numpy as jnp
import numpy as np

N_LOCATIONS = 128
N_GROUPS = 16
BATCH = 16384


def setup_inputs(seed: int = 0) -> dict:
    key = jax.random.key(seed)
    # forward arg: xs['location'] is a list of location keys; we model it as an
    # int index array in [0, N_LOCATIONS).
    locations = jax.random.randint(key, (BATCH,), 0, N_LOCATIONS, dtype=jnp.int32)
    # static mapping location -> group index (from location_groups init kwarg: loc i -> i % 16)
    loc_group = jnp.arange(N_LOCATIONS, dtype=jnp.int32) % N_GROUPS
    # learned scalar parameters, one per group, initialized to init_val=0.0
    params = jnp.zeros((N_GROUPS,), dtype=jnp.float32)
    return {"locations": locations, "loc_group": loc_group, "params": params}


def reference(locations, loc_group, params):
    # torch: ps = torch.cat([self._ps[self._loc_ixs[loc]].view(1,1) for loc in locations], dim=0)
    # i.e. a double gather: location -> group index -> scalar parameter, shaped [B, 1]
    group_ix = jnp.take(loc_group, locations, axis=0)
    ps = jnp.take(params, group_ix, axis=0)[:, None]
    return ps

if __name__ == "__main__":
    import jax
    _d = setup_inputs()
    print(jax.jit(kernel)(*tuple(_d.values())))

</pallas_src>

<mosaic_0001>
#map = affine_map<(d0, d1) -> (0)>
module attributes {stable_mosaic.version = 14 : i64} {
  func.func @k(%arg0: i32, %arg1: i32, %arg2: memref<16384xi32, #tpu.memory_space<hbm>>, %arg3: memref<128xi32, #tpu.memory_space<hbm>>, %arg4: memref<16xf32, #tpu.memory_space<hbm>>, %arg5: memref<16384xf32, #tpu.memory_space<hbm>>, %arg6: memref<1024xi32, #tpu.memory_space<vmem>>, %arg7: memref<128xi32, #tpu.memory_space<vmem>>, %arg8: memref<16xf32, #tpu.memory_space<vmem>>, %arg9: memref<128xf32, #tpu.memory_space<vmem>>, %arg10: memref<1024xf32, #tpu.memory_space<vmem>>, %arg11: memref<!tpu.dma_semaphore, #tpu.memory_space<semaphore_mem>>, %arg12: memref<!tpu.dma_semaphore, #tpu.memory_space<semaphore_mem>>) attributes {dimension_semantics = [#tpu.dimension_semantics<core_parallel>, #tpu.dimension_semantics<subcore_parallel>], iteration_bounds = array<i64: 1, 16>, scalar_prefetch = 0 : i64, scratch_operands = 7 : i64, tpu.core_type = #tpu.core_type<sc_vector_subcore>, window_params = [{transform_indices = #map}, {transform_indices = #map}, {transform_indices = #map}, {transform_indices = #map}]} {
    %mul3A = arith.constant 1 : i32
    %mul3A_0 = arith.muli %arg1, %mul3A : i32
    %add3A = arith.addi %mul3A_0, %arg0 : i32
    %mul3A_1 = arith.constant 1024 : i32
    %mul3A_2 = arith.muli %add3A, %mul3A_1 : i32
    %dma_start3A = tpu.memref_slice %arg2[%mul3A_2] : memref<16384xi32, #tpu.memory_space<hbm>> -> memref<1024xi32, #tpu.memory_space<hbm>>
    %dma_start3A_3 = tpu.memref_slice %arg2[%mul3A_2] : memref<16384xi32, #tpu.memory_space<hbm>> -> memref<1024xi32, #tpu.memory_space<hbm>>
    tpu.enqueue_dma source(%dma_start3A_3 : memref<1024xi32, #tpu.memory_space<hbm>>) target(%arg6 : memref<1024xi32, #tpu.memory_space<vmem>>) target_semaphore(%arg11 : memref<!tpu.dma_semaphore, #tpu.memory_space<semaphore_mem>>)
    tpu.enqueue_dma source(%arg3 : memref<128xi32, #tpu.memory_space<hbm>>) target(%arg7 : memref<128xi32, #tpu.memory_space<vmem>>) target_semaphore(%arg12 : memref<!tpu.dma_semaphore, #tpu.memory_space<semaphore_mem>>)
    tpu.enqueue_dma source(%arg4 : memref<16xf32, #tpu.memory_space<hbm>>) target(%arg8 : memref<16xf32, #tpu.memory_space<vmem>>) target_semaphore(%arg12 : memref<!tpu.dma_semaphore, #tpu.memory_space<semaphore_mem>>)
    tpu.wait_dma2 semaphore(%arg12 : memref<!tpu.dma_semaphore, #tpu.memory_space<semaphore_mem>>) src(%arg3 : memref<128xi32, #tpu.memory_space<hbm>>) dst(%arg7 : memref<128xi32, #tpu.memory_space<vmem>>)
    tpu.wait_dma2 semaphore(%arg12 : memref<!tpu.dma_semaphore, #tpu.memory_space<semaphore_mem>>) src(%arg4 : memref<16xf32, #tpu.memory_space<hbm>>) dst(%arg8 : memref<16xf32, #tpu.memory_space<vmem>>)
    %parallel_loop3A = arith.constant 0 : i32
    %parallel_loop3A_4 = arith.constant 128 : i32
    %parallel_loop3A_5 = arith.constant 16 : i32
    scf.for %parallel_loop3A_10 = %parallel_loop3A to %parallel_loop3A_4 step %parallel_loop3A_5  : i32 {
      %parallel_loop3A_11 = arith.index_cast %parallel_loop3A_10 : i32 to index
      %parallel_loop3A_12 = tpu.vector_load %arg7[%parallel_loop3A_11] {strides = array<i32>} : memref<128xi32, #tpu.memory_space<vmem>>, vector<16xi32>,
      %parallel_loop3A_13 = tpu.vector_load_idx %arg8[%parallel_loop3A_12] : memref<16xf32, #tpu.memory_space<vmem>>[vector<16xi32>], vector<16xf32>,
      %parallel_loop3A_14 = arith.index_cast %parallel_loop3A_10 : i32 to index
      %parallel_loop3A_15 = tpu.vector_load %arg9[%parallel_loop3A_14] {strides = array<i32>} : memref<128xf32, #tpu.memory_space<vmem>>, vector<16xf32>,
      tpu.vector_store %arg9[%parallel_loop3A_14], %parallel_loop3A_13 {strides = array<i32>} : memref<128xf32, #tpu.memory_space<vmem>>, vector<16xf32>,
    } {sc.loop_unroll_factor = 8 : i64, sc.parallel_access}
    %dma_wait3A = tpu.memref_slice %arg2[%mul3A_2] : memref<16384xi32, #tpu.memory_space<hbm>> -> memref<1024xi32, #tpu.memory_space<hbm>>
    %dma_wait3A_6 = tpu.memref_slice %arg2[%mul3A_2] : memref<16384xi32, #tpu.memory_space<hbm>> -> memref<1024xi32, #tpu.memory_space<hbm>>
    tpu.wait_dma2 semaphore(%arg11 : memref<!tpu.dma_semaphore, #tpu.memory_space<semaphore_mem>>) src(%dma_wait3A_6 : memref<1024xi32, #tpu.memory_space<hbm>>) dst(%arg6 : memref<1024xi32, #tpu.memory_space<vmem>>)
    %parallel_loop3A_7 = arith.constant 0 : i32
    %parallel_loop3A_8 = arith.constant 1024 : i32
    %parallel_loop3A_9 = arith.constant 16 : i32
    scf.for %parallel_loop3A_10 = %parallel_loop3A_7 to %parallel_loop3A_8 step %parallel_loop3A_9  : i32 {
      %parallel_loop3A_11 = arith.index_cast %parallel_loop3A_10 : i32 to index
      %parallel_loop3A_12 = tpu.vector_load %arg6[%parallel_loop3A_11] {strides = array<i32>} : memref<1024xi32, #tpu.memory_space<vmem>>, vector<16xi32>,
      %parallel_loop3A_13 = tpu.vector_load_idx %arg9[%parallel_loop3A_12] : memref<128xf32, #tpu.memory_space<vmem>>[vector<16xi32>], vector<16xf32>,
      %parallel_loop3A_14 = arith.index_cast %parallel_loop3A_10 : i32 to index
      %parallel_loop3A_15 = tpu.vector_load %arg10[%parallel_loop3A_14] {strides = array<i32>} : memref<1024xf32, #tpu.memory_space<vmem>>, vector<16xf32>,
      tpu.vector_store %arg10[%parallel_loop3A_14], %parallel_loop3A_13 {strides = array<i32>} : memref<1024xf32, #tpu.memory_space<vmem>>, vector<16xf32>,
    } {sc.loop_unroll_factor = 4 : i64, sc.parallel_access}
    "tpu.region"() ({
      %run_scoped3A = tpu.sem_alloc : memref<!tpu.dma_semaphore, #tpu.memory_space<semaphore_mem>>
      %dma_start3A_10 = tpu.memref_slice %arg5[%mul3A_2] : memref<16384xf32, #tpu.memory_space<hbm>> -> memref<1024xf32, #tpu.memory_space<hbm>>
      %dma_start3A_11 = tpu.memref_slice %arg5[%mul3A_2] : memref<16384xf32, #tpu.memory_space<hbm>> -> memref<1024xf32, #tpu.memory_space<hbm>>
      tpu.enqueue_dma source(%arg10 : memref<1024xf32, #tpu.memory_space<vmem>>) target(%dma_start3A_11 : memref<1024xf32, #tpu.memory_space<hbm>>) target_semaphore(%run_scoped3A : memref<!tpu.dma_semaphore, #tpu.memory_space<semaphore_mem>>)
      %dma_wait3A_12 = tpu.memref_slice %arg5[%mul3A_2] : memref<16384xf32, #tpu.memory_space<hbm>> -> memref<1024xf32, #tpu.memory_space<hbm>>
      %dma_wait3A_13 = tpu.memref_slice %arg5[%mul3A_2] : memref<16384xf32, #tpu.memory_space<hbm>> -> memref<1024xf32, #tpu.memory_space<hbm>>
      tpu.wait_dma2 semaphore(%run_scoped3A : memref<!tpu.dma_semaphore, #tpu.memory_space<semaphore_mem>>) src(%arg10 : memref<1024xf32, #tpu.memory_space<vmem>>) dst(%dma_wait3A_13 : memref<1024xf32, #tpu.memory_space<hbm>>)
      tpu.yield
    }) : () -> ()
    return
  }
}

</mosaic_0001>

<sc_bundles>
// kernel: kernel.3.cloned.1.call-start
scs
__scs_entry_jumppad:
0x0: {  	(pc) =	sbr.rel $0x88, $3  }
0x1: {  	(tag) =	ssettag $0x0;
	lr =	simm.s32 $0x1  }
0x2: {  	[smem:$0x3F9E] =	sst lr;
	_ =	strace $0xD0000000  }
0x3: {  	_ = 	snop  }
0x4: {  	_ = 	snop  }
0x5: {  	_ = 	snop  }
0x6: {  	_ = 	snop  }
0x7: {  	_ = 	snop  }
__scs_overlays_trampoline_lowered:
0x8: {  	[smem:$0x3FAD] =	sst s0  }
0x9: {  	[smem:$0x3FAE] =	sst s1  }
0xa: {  	[smem:$0x3FAF] =	sst s2  }
0xb: {  	[smem:$0x3FB0] =	sst s3  }
0xc: {  	[smem:$0x3FB1] =	sst s4  }
0xd: {  	[smem:$0x3FB2] =	sst s5  }
0xe: {  	[smem:$0x3FB3] =	sst s6  }
0xf: {  	[smem:$0x3FB4] =	sst s7  }
0x10: {  	[smem:$0x3FB5] =	sst s8  }
0x11: {  	[smem:$0x3FB6] =	sst s9;
	s0 =	simm.s32 @!p0 $0x0  }
0x12: {  	s1 =	sld [smem:$0x3F9C];
	s0 =	simm.s32 @p0 $0x1  }
0x13: {  	[smem:$0x3FB7] =	sst s0;
	s0 =	simm.s32 @!p1 $0x0  }
0x14: {  	s2 =	sld [smem:$0x3F9B];
	s0 =	simm.s32 @p1 $0x1  }
0x15: {  	[smem:$0x3FB8] =	sst s0;
	s0 =	simm.s32 @!p2 $0x0  }
0x16: {  	s3 =	sld [smem:$0x3FDB];
	s0 =	simm.s32 @p2 $0x1  }
0x17: {  	s4 =	simm.s32 $0x1BF5;
	[smem:$0x3FBA] =	sst s0  }
0x18: {  	s0 =	sld [smem:$0x3F9D];
	_ =	swait.ge [sflag:s4], $0x0  }
0x19: {  	s7 =	sld [smem:$0x3F9E]  }
0x1a: {  	s8 =	sadd.s32 $0xFFFFE003, lr  }
0x1b: {  	s9 =	sadd.s32 $0xFFFFFEF7, lr;
	s5 =	simm.s32 $0xFFFFFFFF;
	p2 =	slt.u32 s8, $0xFFFFF086  }
0x1c: {  	p1 =	slt.u32 s9, $0xF7A;
	s5 =	simm.s32 @!p2 $0x0  }
0x1d: {  	s5 =	simm.s32 @p1 $0x1;
	p0 =	seq.s32 s7, s2  }
0x1e: {  	s7 =	smul.u32 @!p0 $0xF7A, s2;
	p2 =	seq.s32 @!p0 s5, $0x0  }
0x1f: {  	s9 =	smul.u32 $0xF7A, s1;
	s8 =	simm.s32 @!p0 $0x1BF5;
	p2 =	por !p2, p0  }
0x20: {  	[sflag:s8] =	ssyncset.s32 @!p0 $0xFFFFF086;
	s6 =	sadd.s32 @!p0 s3, s7;
	s7 =	simm.s32 @!p0 $0x108  }
0x21: {  	s3 =	sadd.s32 s3, s9;
	s6 =	sadd.s32 @!p0 $0x88, s6;
	s7 =	simm.s32 @p2 $0x1082  }
0x22: {  	[simem:s7], [sflag:s8] =	dma.local @!p0 [hbm:s6], $0xF7A  }
0x23: {  	s9 =	sor.u32 $0xD0000000, s2;
	s6 =	simm.s32 $0x108;
	_ =	swait.ge @!p0 [sflag:s8], $0x0  }
0x24: {  	s3 =	sadd.s32 $0x88, s3;
	s6 =	simm.s32 @!p1 $0x1082;
	[sflag:s4] =	ssyncset.s32 $0xFFFFF086  }
0x25: {  	[simem:s6], [sflag:s4] =	dma.local [hbm:s3], $0xF7A  }
0x26: {  	[smem:$0x3F9E] =	sst s1;
	(tag) =	ssettag s2;
	_ =	strace s9  }
0x27: {  	s1 =	sld [smem:$0x3FAE]  }
0x28: {  	s2 =	sld [smem:$0x3FAF]  }
0x29: {  	s4 =	sld [smem:$0x3FB1]  }
0x2a: {  	p0 =	seq.s32 s5, $0x0;
	s5 =	sld [smem:$0x3FB2]  }
0x2b: {  	s6 =	sld [smem:$0x3FB3]  }
0x2c: {  	s7 =	sld [smem:$0x3FB4]  }
0x2d: {  	s3 =	simm.s32 $0x108;
	s8 =	sld [smem:$0x3FB5]  }
0x2e: {  	s3 =	simm.s32 @!p0 $0x1082;
	s9 =	sld [smem:$0x3FB6]  }
0x2f: {  	lr =	sadd.s32 s0, s3;
	s0 =	sld [smem:$0x3FAD]  }
0x30: {  	s3 =	sld [smem:$0x3FB0]  }
0x31: {  	[smem:$0x3FB9] =	sst s10  }
0x32: {  	s10 =	sld [smem:$0x3FB7];
	_ =	sdelay $0x3  }
0x33: {  	p0 =	seq.s32 s10, $0x1;
	s10 =	sld [smem:$0x3FB9];
	_ =	sdelay $0x3  }
0x34: {  	[smem:$0x3FB9] =	sst s10  }
0x35: {  	s10 =	sld [smem:$0x3FB8];
	_ =	sdelay $0x3  }
0x36: {  	p1 =	seq.s32 s10, $0x1;
	s10 =	sld [smem:$0x3FB9];
	_ =	sdelay $0x3  }
0x37: {  	[smem:$0x3FB9] =	sst s10  }
0x38: {  	s10 =	sld [smem:$0x3FBA]  }
0x39: {  	_ = 	snop;
	(pc) =	sbr.ind lr, $3  }
0x3a: {  	_ = 	snop  }
0x3b: {  	_ = 	snop  }
0x3c: {  	p2 =	seq.s32 s10, $0x1;
	s10 =	sld [smem:$0x3FB9]  }
0x3d: {  	_ =	shalt  }
0x3e: {  	_ =	shalt  }
0x3f: {  	_ =	shalt  }
0x40: {  	_ =	shalt  }
0x41: {  	_ =	shalt  }
0x42: {  	_ =	shalt  }
0x43: {  	_ =	shalt  }
0x44: {  	_ =	shalt  }
0x45: {  	_ =	shalt  }
0x46: {  	_ =	shalt  }
0x47: {  	_ =	shalt  }
0x48: {  	_ =	shalt  }
0x49: {  	_ =	shalt  }
0x4a: {  	_ =	shalt  }
0x4b: {  	_ =	shalt  }
0x4c: {  	_ =	shalt  }
0x4d: {  	_ =	shalt  }
0x4e: {  	_ =	shalt  }
0x4f: {  	_ =	shalt  }
0x50: {  	_ =	shalt  }
0x51: {  	_ =	shalt  }
0x52: {  	_ =	shalt  }
0x53: {  	_ =	shalt  }
0x54: {  	_ =	shalt  }
0x55: {  	_ =	shalt  }
0x56: {  	_ =	shalt  }
0x57: {  	_ =	shalt  }
0x58: {  	_ =	shalt  }
0x59: {  	_ =	shalt  }
0x5a: {  	_ =	shalt  }
0x5b: {  	_ =	shalt  }
0x5c: {  	_ =	shalt  }
0x5d: {  	_ =	shalt  }
0x5e: {  	_ =	shalt  }
0x5f: {  	_ =	shalt  }
0x60: {  	_ =	shalt  }
0x61: {  	_ =	shalt  }
0x62: {  	_ =	shalt  }
0x63: {  	_ =	shalt  }
0x64: {  	_ =	shalt  }
0x65: {  	_ =	shalt  }
0x66: {  	_ =	shalt  }
0x67: {  	_ =	shalt  }
0x68: {  	_ =	shalt  }
0x69: {  	_ =	shalt  }
0x6a: {  	_ =	shalt  }
0x6b: {  	_ =	shalt  }
0x6c: {  	_ =	shalt  }
0x6d: {  	_ =	shalt  }
0x6e: {  	_ =	shalt  }
0x6f: {  	_ =	shalt  }
0x70: {  	_ =	shalt  }
0x71: {  	_ =	shalt  }
0x72: {  	_ =	shalt  }
0x73: {  	_ =	shalt  }
0x74: {  	_ =	shalt  }
0x75: {  	_ =	shalt  }
0x76: {  	_ =	shalt  }
0x77: {  	_ =	shalt  }
0x78: {  	_ =	shalt  }
0x79: {  	_ =	shalt  }
0x7a: {  	_ =	shalt  }
0x7b: {  	_ =	shalt  }
0x7c: {  	_ =	shalt  }
0x7d: {  	_ =	shalt  }
0x7e: {  	_ =	shalt  }
0x7f: {  	_ =	shalt  }
0x80: {  	_ =	shalt  }
0x81: {  	_ =	shalt  }
0x82: {  	_ =	shalt  }
0x83: {  	_ =	shalt  }
0x84: {  	_ =	shalt  }
0x85: {  	_ =	shalt  }
0x86: {  	_ =	shalt  }
0x87: {  	_ =	shalt  }
.Lfunc_end0:
.L_simem_size_0:
called_computation_lowered:
.L_overlay_start_0:
0x88: {  	s0 =	sld [smem:$0x3FD9]  }
0x89: {  	s1 =	sld [smem:$0x3FFE];
	_ =	sdelay $0x3  }
0x8a: {  	s0 =	sadd.s32 s1, s0  }
0x8b: {  	[smem:$0x3FC5] =	sst s0  }
0x8c: {  	_ = 	snop  }
0x8d: {  	s0 =	sld [smem:$0x3FC9]  }
0x8e: {  	s17 =	sld [smem:$0x3FC8]  }
0x8f: {  	s2 =	sld [smem:$0x3FC7]  }
0x90: {  	s3 =	sld [smem:$0x3FD0];
	(tm) =	ssettm $0x1  }
0x91: {  	s4 =	sld [smem:$0x3FFB];
	_ =	sdelay $0x3  }
0x92: {  	_ =	strace s4  }
0x93: {  	s4 =	sld [smem:$0x3FFC];
	_ =	sdelay $0x3  }
0x94: {  	_ =	strace s4  }
0x95: {  	s4 =	sld [smem:$0x3FFD];
	_ =	sdelay $0x3  }
0x96: {  	_ =	strace s4  }
0x97: {  	_ =	strace $0x8FFFFFFF  }
0x98: {  	s18 =	sld [smem:$0x3FDB];
	_ =	sdelay $0x1  }
0x99: {  	s5 =	simm.s32 $_scs_section_size  }
0x9a: {  	s6 =	simm.s32 $_size__tile_overlayer_lowered;
	s7 =	simm.s32 $_tile_overlayer_lowered  }
0x9b: {  	s21 =	simm.s32 $0x1BFF;
	s20 =	sshll.u32 s7, $0x1;
	s4 =	sadd.s32 s5, s18  }
0x9c: {  	s8 =	simm.s32 $0x0;
	s19 =	sshll.u32 s6, $0x1;
	s6 =	sadd.s32 s20, s4  }
0x9d: {  	[timem:s8], [sflag:s21] =	dma.local [hbm:s6], s19  }
0x9e: {  	_ =	swait.ge [sflag:s21], s19  }
0x9f: {  	s5 =	ssub.s32 $0x0, s19;
	[sflag:s21] =	ssyncset.done $0x0  }
0xa0: {  	[sflag:s21] =	ssyncadd.s32 s5;
	_ =	sdelay $0x1  }
0xa1: {  	s22 =	simm.s32 $0x1B8B  }
0xa2: {  	_ =	swait.ge [sflag:s22], $0x1  }
0xa3: {  	[sflag:s22] =	ssyncset.done $0x0  }
0xa4: {  	s23 =	simm.s32 $0x1B8E;
	[sflag:s22] =	ssyncadd.s32 $0xFFFFFFFF  }
0xa5: {  	s24 =	simm.s32 $execute0_lowered;
	[smem:$0x3FD2] =	sst s23  }
0xa6: {  	s5 =	sshll.u32 s24, $0x1;
	_ =	strace $0x80000046;
	[dreg:$0x1] =	wrdreg $0xFFFFFFFF  }
0xa7: {  	s25 =	simm.s32 $_size_execute0_lowered;
	s4 =	sadd.s32 s4, s5;
	[dreg:$0x0] =	wrdreg $0x0  }
0xa8: {  	s5 =	sshll.u32 s25, $0x1;
	[dreg:$0x2] =	wrdreg s4  }
0xa9: {  	[dreg:$0x3] =	wrdreg s5  }
0xaa: {  	[dreg:$0x4] =	wrdreg $0xC0  }
0xab: {  	_ =	task [dreg:s8], $0x5FFFF  }
0xac: {  	[dreg:$0x1] =	wrdreg $0xFFFFFFFF  }
0xad: {  	[dreg:$0x0] =	wrdreg $0x60  }
0xae: {  	[dreg:$0x2] =	wrdreg s0  }
0xaf: {  	[dreg:$0x3] =	wrdreg s17  }
0xb0: {  	[dreg:$0x4] =	wrdreg s2  }
0xb1: {  	[dreg:$0x5] =	wrdreg s3  }
0xb2: {  	[dreg:$0x6] =	wrdreg $0x9  }
0xb3: {  	_ =	task.clear_ibuf [dreg:s8], $0x7FFFF;
	_ =	strace $0x90000046  }
0xb4: {  	s26 =	simm.s32 $0x9;
	_ =	strace $0x80000048  }
0xb5: {  	_ =	swait.ge [sflag:s26], $0x1  }
0xb6: {  	[sflag:s26] =	ssyncadd.s32 $0xFFFFFFFF  }
0xb7: {  	_ =	strace $0x90000048  }
0xb8: {  	_ =	sfence  }
0xb9: {  	s28 =	sld [smem:$0x0];
	_ =	sdelay $0x1  }
0xba: {  	s29 =	srdreg.scid  }
0xbb: {  	s30 =	sshll.u32 s29, $0xD;
	s31 =	sshrl.u32 s29, $0x2  }
0xbc: {  	s1 =	sand.u32 $0x1, s29;
	s2 =	sand.u32 $0x4000, s30;
	s0 =	sadd.s32 s31, s28  }
0xbd: {  	s1 =	sor.u32 s2, s1;
	s0 =	sshll.u32 s0, $0x11  }
0xbe: {  	s0 =	sor.u32 s0, s1  }
0xbf: {  	s0 =	sadd.s32 $0x8F2B, s0  }
0xc0: {  	[sflag:s0] =	ssyncadd.remote.s32 $0x1  }
0xc1: {  	_ =	sfence.sel $0xFFFF  }
0xc2: {  	[dreg:$0x0] =	wrdreg $0xFFFFFFFF;
	(pc) =	sbr.abs _section_cstart, $3  }
0xc3: {  	[dreg:$0x1] =	wrdreg $0xFFFFFFFF  }
0xc4: {  	_ =	task.clear_ibuf [dreg:s8], $0x2FFFF;
	_ =	strace $0x9FFFFFFF  }
0xc5: {  	(tm) =	ssettm $0x7FFFFFFF  }
tec
execute0_lowered:
.L_overlay_start_1:
0x0: {  	(tag) =	ssettag $0x1  }
0x1: {  	s4 =	rddreg [dreg:$0x0]  }
0x2: {  	s5 =	rddreg [dreg:$0x1]  }
0x3: {  	s6 =	rddreg [dreg:$0x2]  }
0x4: {  	s2 =	rddreg [dreg:$0x3];
	s7 =	simm.s32 $0x0;
	s1 =	stileid.u32  }
0x5: {  	[smem:$0x7FF] =	sst s7;
	s3 =	sshll.u32 s1, $0x7  }
0x6: {  	s0 =	rddreg [dreg:$0x4];
	_ =	strace $0x80000047;
	s4 =	sadd.s32 s4, s3  }
0x7: {  	[tilespmem:s7], [sflag:$0x1] =	stream.linear.gather [hbm4b:s4+s7], $0x400, $0x38;
	[tilespmem:$0x910] =	vst v63  }
0x8: {  	s25 =	simm.s32 $0x400  }
0x9: {  	[tilespmem:s25], [sflag:$0x2] =	stream.linear.gather [hbm4b:s5+s7], $0x80, $0x38;
	[tilespmem:$0x910] =	vst v63  }
0xa: {  	s26 =	simm.s32 $0x480;
	s28 =	simm.s32 $0x2  }
0xb: {  	[tilespmem:s26], [sflag:$0x2] =	stream.linear.gather [hbm4b:s6+s7], $0x10, $0x38;
	[tilespmem:$0x910] =	vst v63  }
0xc: {  	_ =	swait.ge [sflag:s28], $0x80  }
0xd: {  	[sflag:s28] =	ssyncset.done $0x0  }
0xe: {  	[sflag:s28] =	ssyncadd.s32 $0xFFFFFF80  }
0xf: {  	_ =	swait.ge [sflag:s28], $0x10  }
0x10: {  	[sflag:s28] =	ssyncset.done $0x0  }
0x11: {  	[sflag:s28] =	ssyncadd.s32 $0xFFFFFFF0  }
0x12: {  	v0 =	vld [tilespmem:$0x400]  }
0x13: {  	v1 =	vld [tilespmem:$0x410]  }
0x14: {  	v2 =	vld [tilespmem:$0x420]  }
0x15: {  	v3 =	vld [tilespmem:$0x430]  }
0x16: {  	v4 =	vld [tilespmem:$0x440]  }
0x17: {  	v5 =	vld [tilespmem:$0x450]  }
0x18: {  	v6 =	vld [tilespmem:$0x460]  }
0x19: {  	v7 =	vld [tilespmem:$0x470]  }
0x1a: {  	v0 =	vld.idx.msk [tilespmem:v0+s26+$0x0], $0xffff  }
0x1b: {  	v1 =	vld.idx.msk [tilespmem:v1+s26+$0x0], $0xffff  }
0x1c: {  	v2 =	vld.idx.msk [tilespmem:v2+s26+$0x0], $0xffff  }
0x1d: {  	v3 =	vld.idx.msk [tilespmem:v3+s26+$0x0], $0xffff  }
0x1e: {  	v4 =	vld.idx.msk [tilespmem:v4+s26+$0x0], $0xffff  }
0x1f: {  	[tilespmem:$0x490] =	vst v0;
	v0 =	vld.idx.msk [tilespmem:v5+s26+$0x0], $0xffff  }
0x20: {  	[tilespmem:$0x4A0] =	vst v1;
	v1 =	vld.idx.msk [tilespmem:v6+s26+$0x0], $0xffff  }
0x21: {  	[tilespmem:$0x4B0] =	vst v2;
	v2 =	vld.idx.msk [tilespmem:v7+s26+$0x0], $0xffff  }
0x22: {  	[tilespmem:$0x4C0] =	vst v3  }
0x23: {  	[tilespmem:$0x4D0] =	vst v4  }
0x24: {  	[tilespmem:$0x4E0] =	vst v0  }
0x25: {  	[tilespmem:$0x4F0] =	vst v1  }
0x26: {  	s29 =	simm.s32 $0x1;
	[tilespmem:$0x500] =	vst v2  }
0x27: {  	_ =	swait.ge [sflag:s29], $0x400  }
0x28: {  	[sflag:s29] =	ssyncset.done $0x0  }
0x29: {  	s30 =	simm.s32 $0x20;
	[sflag:s29] =	ssyncadd.s32 $0xFFFFFC00  }
0x2a: {  	v0 =	vld [tilespmem:s30+$0x10];
	_ =	sdelay $0x1  }
0x2b: {  	v2 =	vld [tilespmem:s30+$0xFFFFFFE0]  }
0x2c: {  	v3 =	vld [tilespmem:s30+$0xFFFFFFF0]  }
0x2d: {  	s31 =	simm.s32 $0x60;
	v4 =	vld [tilespmem:s30+$0x0]  }
0x2e: {  	v7 =	vld [tilespmem:s31+$0x10]  }
0x2f: {  	v1 =	vld [tilespmem:s31+$0xFFFFFFF0]  }
0x30: {  	s4 =	simm.s32 $0x490;
	v6 =	vld [tilespmem:s31+$0xFFFFFFE0]  }
0x31: {  	v8 =	vld.idx.msk [tilespmem:v0+s4+$0x0], $0xffff  }
0x32: {  	v0 =	vld [tilespmem:s31+$0x0]  }
0x33: {  	v5 =	vld.idx.msk [tilespmem:v2+s4+$0x0], $0xffff  }
0x34: {  	v2 =	vld.idx.msk [tilespmem:v3+s4+$0x0], $0xffff  }
0x35: {  	s5 =	simm.s32 $0x530;
	v3 =	vld.idx.msk [tilespmem:v4+s4+$0x0], $0xffff  }
0x36: {  	s6 =	simm.s32 $0x40;
	s7 =	simm.s32 $0xA0;
	v4 =	vld.idx.msk [tilespmem:v7+s4+$0x0], $0xffff;
	[tilespmem:s5+$0x10] =	vst v8  }
.LBB2_1:
0x37: {  	v7 =	vld [tilespmem:s7+$0x10];
	s6 =	sadd.s32 $0x40, s6  }
0x38: {  	v8 =	vld [tilespmem:s7+$0xFFFFFFF0];
	p0 =	slt.u32 s6, $0x3C0;
	[tilespmem:s5+$0xFFFFFFE0] =	vst v5  }
0x39: {  	v9 =	vld [tilespmem:s7+$0x0];
	[tilespmem:s5+$0xFFFFFFF0] =	vst v2  }
0x3a: {  	v10 =	vld [tilespmem:s7+$0xFFFFFFE0];
	[tilespmem:s5+$0x0] =	vst v3  }
.Ltmp0:
0x3b: {  	s5 =	sadd.s32 $0x40, s5;
	v5 =	vld.idx.msk [tilespmem:v6+s4+$0x0], $0xffff;
	(pc) =	sbr.rel @p0 .LBB2_1-.Ltmp0, $4  }
0x3c: {  	v2 =	vld.idx.msk [tilespmem:v1+s4+$0x0], $0xffff;
	[tilespmem:s5+$0x10] =	vst v4  }
0x3d: {  	v3 =	vld.idx.msk [tilespmem:v0+s4+$0x0], $0xffff;
	v1 =	vmov v8  }
0x3e: {  	v0 =	vmov v9  }
0x3f: {  	s7 =	sadd.s32 $0x40, s7;
	v4 =	vld.idx.msk [tilespmem:v7+s4+$0x0], $0xffff;
	v6 =	vmov v10  }
0x40: {  	_ =	sdelay $0x3  }
0x41: {  	v6 =	vld.idx.msk [tilespmem:v6+s4+$0x0], $0xffff  }
0x42: {  	[tilespmem:s5+$0xFFFFFFE0] =	vst v5;
	v1 =	vld.idx.msk [tilespmem:v1+s4+$0x0], $0xffff  }
0x43: {  	v0 =	vld.idx.msk [tilespmem:v0+s4+$0x0], $0xffff;
	[tilespmem:s5+$0xFFFFFFF0] =	vst v2  }
0x44: {  	s28 =	sadd.s32 $0x40, s5;
	[tilespmem:s5+$0x0] =	vst v3  }
0x45: {  	[tilespmem:s28+$0x10] =	vst v4  }
0x46: {  	[tilespmem:s28+$0xFFFFFFE0] =	vst v6  }
0x47: {  	s2 =	sadd.s32 s2, s3;
	[tilespmem:s28+$0xFFFFFFF0] =	vst v1  }
0x48: {  	s29 =	simm.s32 $0x0;
	s30 =	simm.s32 $0x510;
	s31 =	simm.s32 $0x3;
	[tilespmem:s28+$0x0] =	vst v0  }
0x49: {  	[hbm4b:s2+s29] =	stream.linear.scatter [tilespmem:s30], [sflag:$0x3], $0x400, $0x38;
	[tilespmem:$0x910] =	vst v63  }
0x4a: {  	_ =	swait.ge [sflag:s31], $0x400  }
0x4b: {  	[sflag:s31] =	ssyncset.done $0x0  }
0x4c: {  	[sflag:s31] =	ssyncadd.s32 $0xFFFFFC00  }
0x4d: {  	_ =	sfence.sel $0x180000  }
0x4e: {  	[bflag:$0x0] =	sbarrier.arrive $0xFFFF  }
0x4f: {  	p0 =	sne.s32 s1, $0x0;
	_ =	strace $0x90000047  }
0x50: {  	s0 =	sadd.s32 @!p0 $0x100000, s0;
	[bflag:$0x2] =	sbarrier.arrive $0xFFFF  }
0x51: {  	[sflag:s0] =	ssyncadd.tile.s32 @!p0 $0x1;
	_ =	shalt  }
.Lfunc_end2:
_tile_overlayer_lowered:
.L_overlay_start_2:
0x52: {  	(tag) =	ssettag $0x2  }
0x53: {  	s0 =	rddreg [dreg:$0x0];
	s2 =	stileid.u32  }
0x54: {  	s1 =	rddreg [dreg:$0x1];
	p0 =	sne.s32 s2, $0x0  }
0x55: {  	s3 =	rddreg [dreg:$0x2];
	[bflag:$0x3] =	sbarrier.arrive $0xFFFF;
	s2 =	simm.s32 @!p0 $0x1C03  }
0x56: {  	[timem:s3], [sflag:s2] =	dma.local @!p0 [hbm:s0], s1  }
0x57: {  	s0 =	simm.s32 @!p0 $0x3  }
0x58: {  	_ =	swait.ge @!p0 [sflag:s0], s1  }
0x59: {  	s1 =	ssub.s32 @!p0 $0x0, s1;
	[sflag:s0] =	ssyncset.done @!p0 $0x0  }
0x5a: {  	[sflag:s0] =	ssyncadd.s32 @!p0 s1  }
0x5b: {  	[bflag:$0x3] =	sbarrier.arrive $0xFFFF  }
0x5c: {  	_ =	shalt  }

</sc_bundles>
